<compile_context>
chip_gen: v7x
topology: tpu7x:2x2x1
jax: 0.10.2.dev20260603
libtpu: 0.0.44.dev20260713+nightly
codegen_flags: <defaults>
</compile_context>

<pallas_src>
import jax
import jax.numpy as jnp
from jax import lax
from jax.experimental import pallas as pl
from jax.experimental.pallas import tpu as pltpu
from jax.experimental.pallas import tpu_sc as plsc

_N = 100000
_NW = 16
_CHUNK = 6272
_ITERS = _CHUNK // 16


def _body(x0_hbm, w_hbm, o_hbm,
          x0_v, w_v, o0_v, o1_v, o2_v):
    wid = lax.axis_index("s")
    base = jnp.where(wid == _NW - 1, _N - _CHUNK, wid * _CHUNK)

    pltpu.sync_copy(w_hbm, w_v)
    pltpu.sync_copy(x0_hbm.at[pl.ds(base, _CHUNK)], x0_v)

    @plsc.parallel_loop(0, _ITERS, unroll=14)
    def _step(i):
        s = pl.ds(i * 16, 16)
        wbase = x0_v[s] * 3
        o0_v[s] = plsc.load_gather(w_v, [wbase])
        o1_v[s] = plsc.load_gather(w_v, [wbase + 1])
        o2_v[s] = plsc.load_gather(w_v, [wbase + 2])

    pltpu.sync_copy(o0_v, o_hbm.at[pl.ds(base, _CHUNK)])
    pltpu.sync_copy(o1_v, o_hbm.at[pl.ds(_N + base, _CHUNK)])
    pltpu.sync_copy(o2_v, o_hbm.at[pl.ds(2 * _N + base, _CHUNK)])


_sc_call = pl.kernel(
    _body,
    out_type=jax.ShapeDtypeStruct((3 * _N,), jnp.float32),
    mesh=plsc.VectorSubcoreMesh(core_axis_name="c", subcore_axis_name="s", num_cores=1),
    scratch_types=[
        pltpu.VMEM((_CHUNK,), jnp.int32),
        pltpu.VMEM((16,), jnp.float32),
        pltpu.VMEM((_CHUNK,), jnp.float32),
        pltpu.VMEM((_CHUNK,), jnp.float32),
        pltpu.VMEM((_CHUNK,), jnp.float32),
    ],
    compiler_params=pltpu.CompilerParams(needs_layout_passes=False),
)


def kernel(x, W):
    x0 = x[:, 0]
    w16 = jnp.pad(W.reshape(-1), (0, 7))
    planes = _sc_call(x0, w16)
    o0 = planes[:_N]
    o1 = planes[_N:2 * _N]
    o2 = planes[2 * _N:]
    o3 = x[:, 1].astype(jnp.float32)
    return jnp.concatenate(
        (o0[:, None], o1[:, None], o2[:, None], o3[:, None]), axis=1
    )

# --- scband reference (transcript-rebuilt; emitter-appended) ---
"""Pipeline reference for scband-node-encoder-7035156430971 (READ-ONLY COPY).

The authoritative reference and input builder live on the scoring server;
editing this copy changes nothing except your own understanding.
"""

import jax, jax.numpy as jnp
import numpy as np

N = 100000
NUM_TYPES = 3
EMB_DIM = 3

def setup_inputs(seed: int = 0) -> dict:
    key = jax.random.key(seed)
    k1, k2 = jax.random.split(key)
    x = jax.random.randint(k1, (N, 2), 0, NUM_TYPES, dtype=jnp.int64) if jax.config.jax_enable_x64 else jax.random.randint(k1, (N, 2), 0, NUM_TYPES, dtype=jnp.int32)
    # xavier_uniform for Embedding(3, 3): gain=1, bound = sqrt(6/(fan_in+fan_out)) = sqrt(6/6) = 1.0
    bound = float(np.sqrt(6.0 / (NUM_TYPES + EMB_DIM)))
    W = jax.random.uniform(k2, (NUM_TYPES, EMB_DIM), minval=-bound, maxval=bound, dtype=jnp.float32)
    return {"x": x, "W": W}

def reference(x, W):
    # x_embedding = self.node_type_embedding(x[:, 0])
    emb = jnp.take(W, x[:, 0], axis=0)
    # torch.cat((x_embedding, x[:, 1].reshape(-1, 1)), dim=1)
    col = x[:, 1].reshape(-1, 1).astype(emb.dtype)
    return jnp.concatenate((emb, col), axis=1)

if __name__ == "__main__":
    import jax
    _d = setup_inputs()
    print(jax.jit(kernel)(*tuple(_d.values())))

</pallas_src>

<mosaic_0001>
#map = affine_map<(d0, d1) -> (0)>
module attributes {stable_mosaic.version = 14 : i64} {
  func.func @_body(%arg0: i32, %arg1: i32, %arg2: memref<100000xi32, #tpu.memory_space<hbm>>, %arg3: memref<16xf32, #tpu.memory_space<hbm>>, %arg4: memref<300000xf32, #tpu.memory_space<hbm>>, %arg5: memref<6272xi32, #tpu.memory_space<vmem>>, %arg6: memref<16xf32, #tpu.memory_space<vmem>>, %arg7: memref<6272xf32, #tpu.memory_space<vmem>>, %arg8: memref<6272xf32, #tpu.memory_space<vmem>>, %arg9: memref<6272xf32, #tpu.memory_space<vmem>>) attributes {dimension_semantics = [#tpu.dimension_semantics<core_parallel>, #tpu.dimension_semantics<subcore_parallel>], iteration_bounds = array<i64: 1, 16>, scalar_prefetch = 0 : i64, scratch_operands = 5 : i64, tpu.core_type = #tpu.core_type<sc_vector_subcore>, window_params = [{transform_indices = #map}, {transform_indices = #map}, {transform_indices = #map}]} {
    %eq3A = arith.constant 15 : i32
    %eq3A_0 = arith.cmpi eq, %arg1, %eq3A : i32
    %mul3A = arith.constant 6272 : i32
    %mul3A_1 = arith.muli %arg1, %mul3A : i32
    %jit3A = arith.constant 93728 : i32
    %select_n3A = arith.select %eq3A_0, %jit3A, %mul3A_1 : i32
    "tpu.region"() ({
      %run_scoped3A = tpu.sem_alloc : memref<!tpu.dma_semaphore, #tpu.memory_space<semaphore_mem>>
      tpu.enqueue_dma source(%arg3 : memref<16xf32, #tpu.memory_space<hbm>>) target(%arg6 : memref<16xf32, #tpu.memory_space<vmem>>) target_semaphore(%run_scoped3A : memref<!tpu.dma_semaphore, #tpu.memory_space<semaphore_mem>>)
      tpu.wait_dma2 semaphore(%run_scoped3A : memref<!tpu.dma_semaphore, #tpu.memory_space<semaphore_mem>>) src(%arg3 : memref<16xf32, #tpu.memory_space<hbm>>) dst(%arg6 : memref<16xf32, #tpu.memory_space<vmem>>)
      tpu.yield
    }) : () -> ()
    "tpu.region"() ({
      %run_scoped3A = tpu.sem_alloc : memref<!tpu.dma_semaphore, #tpu.memory_space<semaphore_mem>>
      %dma_start3A = tpu.memref_slice %arg2[%select_n3A] : memref<100000xi32, #tpu.memory_space<hbm>> -> memref<6272xi32, #tpu.memory_space<hbm>>
      %dma_start3A_7 = tpu.memref_slice %arg2[%select_n3A] : memref<100000xi32, #tpu.memory_space<hbm>> -> memref<6272xi32, #tpu.memory_space<hbm>>
      tpu.enqueue_dma source(%dma_start3A_7 : memref<6272xi32, #tpu.memory_space<hbm>>) target(%arg5 : memref<6272xi32, #tpu.memory_space<vmem>>) target_semaphore(%run_scoped3A : memref<!tpu.dma_semaphore, #tpu.memory_space<semaphore_mem>>)
      %dma_wait3A = tpu.memref_slice %arg2[%select_n3A] : memref<100000xi32, #tpu.memory_space<hbm>> -> memref<6272xi32, #tpu.memory_space<hbm>>
      %dma_wait3A_8 = tpu.memref_slice %arg2[%select_n3A] : memref<100000xi32, #tpu.memory_space<hbm>> -> memref<6272xi32, #tpu.memory_space<hbm>>
      tpu.wait_dma2 semaphore(%run_scoped3A : memref<!tpu.dma_semaphore, #tpu.memory_space<semaphore_mem>>) src(%dma_wait3A_8 : memref<6272xi32, #tpu.memory_space<hbm>>) dst(%arg5 : memref<6272xi32, #tpu.memory_space<vmem>>)
      tpu.yield
    }) : () -> ()
    %parallel_loop3A = arith.constant 0 : i32
    %parallel_loop3A_2 = arith.constant 392 : i32
    %parallel_loop3A_3 = arith.constant 1 : i32
    scf.for %parallel_loop3A_7 = %parallel_loop3A to %parallel_loop3A_2 step %parallel_loop3A_3  : i32 {
      %parallel_loop3A_8 = arith.constant 16 : i32
      %parallel_loop3A_9 = arith.muli %parallel_loop3A_7, %parallel_loop3A_8 : i32
      %parallel_loop3A_10 = arith.index_cast %parallel_loop3A_9 : i32 to index
      %parallel_loop3A_11 = tpu.vector_load %arg5[%parallel_loop3A_10] {strides = array<i32>} : memref<6272xi32, #tpu.memory_space<vmem>>, vector<16xi32>,
      %parallel_loop3A_12 = arith.constant 3 : i32
      %parallel_loop3A_13 = vector.broadcast %parallel_loop3A_12 : i32 to vector<16xi32>
      %parallel_loop3A_14 = arith.muli %parallel_loop3A_11, %parallel_loop3A_13 : vector<16xi32>
      %parallel_loop3A_15 = tpu.vector_load_idx %arg6[%parallel_loop3A_14] : memref<16xf32, #tpu.memory_space<vmem>>[vector<16xi32>], vector<16xf32>,
      %parallel_loop3A_16 = arith.index_cast %parallel_loop3A_9 : i32 to index
      %parallel_loop3A_17 = tpu.vector_load %arg7[%parallel_loop3A_16] {strides = array<i32>} : memref<6272xf32, #tpu.memory_space<vmem>>, vector<16xf32>,
      tpu.vector_store %arg7[%parallel_loop3A_16], %parallel_loop3A_15 {strides = array<i32>} : memref<6272xf32, #tpu.memory_space<vmem>>, vector<16xf32>,
      %parallel_loop3A_18 = arith.constant 1 : i32
      %parallel_loop3A_19 = vector.broadcast %parallel_loop3A_18 : i32 to vector<16xi32>
      %parallel_loop3A_20 = arith.addi %parallel_loop3A_14, %parallel_loop3A_19 : vector<16xi32>
      %parallel_loop3A_21 = tpu.vector_load_idx %arg6[%parallel_loop3A_20] : memref<16xf32, #tpu.memory_space<vmem>>[vector<16xi32>], vector<16xf32>,
      %parallel_loop3A_22 = arith.index_cast %parallel_loop3A_9 : i32 to index
      %parallel_loop3A_23 = tpu.vector_load %arg8[%parallel_loop3A_22] {strides = array<i32>} : memref<6272xf32, #tpu.memory_space<vmem>>, vector<16xf32>,
      tpu.vector_store %arg8[%parallel_loop3A_22], %parallel_loop3A_21 {strides = array<i32>} : memref<6272xf32, #tpu.memory_space<vmem>>, vector<16xf32>,
      %parallel_loop3A_24 = arith.constant 2 : i32
      %parallel_loop3A_25 = vector.broadcast %parallel_loop3A_24 : i32 to vector<16xi32>
      %parallel_loop3A_26 = arith.addi %parallel_loop3A_14, %parallel_loop3A_25 : vector<16xi32>
      %parallel_loop3A_27 = tpu.vector_load_idx %arg6[%parallel_loop3A_26] : memref<16xf32, #tpu.memory_space<vmem>>[vector<16xi32>], vector<16xf32>,
      %parallel_loop3A_28 = arith.index_cast %parallel_loop3A_9 : i32 to index
      %parallel_loop3A_29 = tpu.vector_load %arg9[%parallel_loop3A_28] {strides = array<i32>} : memref<6272xf32, #tpu.memory_space<vmem>>, vector<16xf32>,
      tpu.vector_store %arg9[%parallel_loop3A_28], %parallel_loop3A_27 {strides = array<i32>} : memref<6272xf32, #tpu.memory_space<vmem>>, vector<16xf32>,
    } {sc.loop_unroll_factor = 14 : i64, sc.parallel_access}
    "tpu.region"() ({
      %run_scoped3A = tpu.sem_alloc : memref<!tpu.dma_semaphore, #tpu.memory_space<semaphore_mem>>
      %dma_start3A = tpu.memref_slice %arg4[%select_n3A] : memref<300000xf32, #tpu.memory_space<hbm>> -> memref<6272xf32, #tpu.memory_space<hbm>>
      %dma_start3A_7 = tpu.memref_slice %arg4[%select_n3A] : memref<300000xf32, #tpu.memory_space<hbm>> -> memref<6272xf32, #tpu.memory_space<hbm>>
      tpu.enqueue_dma source(%arg7 : memref<6272xf32, #tpu.memory_space<vmem>>) target(%dma_start3A_7 : memref<6272xf32, #tpu.memory_space<hbm>>) target_semaphore(%run_scoped3A : memref<!tpu.dma_semaphore, #tpu.memory_space<semaphore_mem>>)
      %dma_wait3A = tpu.memref_slice %arg4[%select_n3A] : memref<300000xf32, #tpu.memory_space<hbm>> -> memref<6272xf32, #tpu.memory_space<hbm>>
      %dma_wait3A_8 = tpu.memref_slice %arg4[%select_n3A] : memref<300000xf32, #tpu.memory_space<hbm>> -> memref<6272xf32, #tpu.memory_space<hbm>>
      tpu.wait_dma2 semaphore(%run_scoped3A : memref<!tpu.dma_semaphore, #tpu.memory_space<semaphore_mem>>) src(%arg7 : memref<6272xf32, #tpu.memory_space<vmem>>) dst(%dma_wait3A_8 : memref<6272xf32, #tpu.memory_space<hbm>>)
      tpu.yield
    }) : () -> ()
    %add3A = arith.constant 100000 : i32
    %add3A_4 = arith.addi %add3A, %select_n3A : i32
    "tpu.region"() ({
      %run_scoped3A = tpu.sem_alloc : memref<!tpu.dma_semaphore, #tpu.memory_space<semaphore_mem>>
      %dma_start3A = tpu.memref_slice %arg4[%add3A_4] : memref<300000xf32, #tpu.memory_space<hbm>> -> memref<6272xf32, #tpu.memory_space<hbm>>
      %dma_start3A_7 = tpu.memref_slice %arg4[%add3A_4] : memref<300000xf32, #tpu.memory_space<hbm>> -> memref<6272xf32, #tpu.memory_space<hbm>>
      tpu.enqueue_dma source(%arg8 : memref<6272xf32, #tpu.memory_space<vmem>>) target(%dma_start3A_7 : memref<6272xf32, #tpu.memory_space<hbm>>) target_semaphore(%run_scoped3A : memref<!tpu.dma_semaphore, #tpu.memory_space<semaphore_mem>>)
      %dma_wait3A = tpu.memref_slice %arg4[%add3A_4] : memref<300000xf32, #tpu.memory_space<hbm>> -> memref<6272xf32, #tpu.memory_space<hbm>>
      %dma_wait3A_8 = tpu.memref_slice %arg4[%add3A_4] : memref<300000xf32, #tpu.memory_space<hbm>> -> memref<6272xf32, #tpu.memory_space<hbm>>
      tpu.wait_dma2 semaphore(%run_scoped3A : memref<!tpu.dma_semaphore, #tpu.memory_space<semaphore_mem>>) src(%arg8 : memref<6272xf32, #tpu.memory_space<vmem>>) dst(%dma_wait3A_8 : memref<6272xf32, #tpu.memory_space<hbm>>)
      tpu.yield
    }) : () -> ()
    %add3A_5 = arith.constant 200000 : i32
    %add3A_6 = arith.addi %add3A_5, %select_n3A : i32
    "tpu.region"() ({
      %run_scoped3A = tpu.sem_alloc : memref<!tpu.dma_semaphore, #tpu.memory_space<semaphore_mem>>
      %dma_start3A = tpu.memref_slice %arg4[%add3A_6] : memref<300000xf32, #tpu.memory_space<hbm>> -> memref<6272xf32, #tpu.memory_space<hbm>>
      %dma_start3A_7 = tpu.memref_slice %arg4[%add3A_6] : memref<300000xf32, #tpu.memory_space<hbm>> -> memref<6272xf32, #tpu.memory_space<hbm>>
      tpu.enqueue_dma source(%arg9 : memref<6272xf32, #tpu.memory_space<vmem>>) target(%dma_start3A_7 : memref<6272xf32, #tpu.memory_space<hbm>>) target_semaphore(%run_scoped3A : memref<!tpu.dma_semaphore, #tpu.memory_space<semaphore_mem>>)
      %dma_wait3A = tpu.memref_slice %arg4[%add3A_6] : memref<300000xf32, #tpu.memory_space<hbm>> -> memref<6272xf32, #tpu.memory_space<hbm>>
      %dma_wait3A_8 = tpu.memref_slice %arg4[%add3A_6] : memref<300000xf32, #tpu.memory_space<hbm>> -> memref<6272xf32, #tpu.memory_space<hbm>>
      tpu.wait_dma2 semaphore(%run_scoped3A : memref<!tpu.dma_semaphore, #tpu.memory_space<semaphore_mem>>) src(%arg9 : memref<6272xf32, #tpu.memory_space<vmem>>) dst(%dma_wait3A_8 : memref<6272xf32, #tpu.memory_space<hbm>>)
      tpu.yield
    }) : () -> ()
    return
  }
}

</mosaic_0001>

<sc_bundles>
// kernel: kernel.3.cloned.1.call-start
scs
__scs_entry_jumppad:
0x0: {  	(pc) =	sbr.rel $0x88, $3  }
0x1: {  	(tag) =	ssettag $0x0;
	lr =	simm.s32 $0x1  }
0x2: {  	[smem:$0x3F9F] =	sst lr;
	_ =	strace $0xD0000000  }
0x3: {  	_ = 	snop  }
0x4: {  	_ = 	snop  }
0x5: {  	_ = 	snop  }
0x6: {  	_ = 	snop  }
0x7: {  	_ = 	snop  }
__scs_overlays_trampoline_lowered:
0x8: {  	[smem:$0x3FAE] =	sst s0  }
0x9: {  	[smem:$0x3FAF] =	sst s1  }
0xa: {  	[smem:$0x3FB0] =	sst s2  }
0xb: {  	[smem:$0x3FB1] =	sst s3  }
0xc: {  	[smem:$0x3FB2] =	sst s4  }
0xd: {  	[smem:$0x3FB3] =	sst s5  }
0xe: {  	[smem:$0x3FB4] =	sst s6  }
0xf: {  	[smem:$0x3FB5] =	sst s7  }
0x10: {  	[smem:$0x3FB6] =	sst s8  }
0x11: {  	[smem:$0x3FB7] =	sst s9;
	s0 =	simm.s32 @!p0 $0x0  }
0x12: {  	s1 =	sld [smem:$0x3F9D];
	s0 =	simm.s32 @p0 $0x1  }
0x13: {  	[smem:$0x3FB8] =	sst s0;
	s0 =	simm.s32 @!p1 $0x0  }
0x14: {  	s2 =	sld [smem:$0x3F9C];
	s0 =	simm.s32 @p1 $0x1  }
0x15: {  	[smem:$0x3FB9] =	sst s0;
	s0 =	simm.s32 @!p2 $0x0  }
0x16: {  	s3 =	sld [smem:$0x3FDB];
	s0 =	simm.s32 @p2 $0x1  }
0x17: {  	s4 =	simm.s32 $0x1BF5;
	[smem:$0x3FBB] =	sst s0  }
0x18: {  	s0 =	sld [smem:$0x3F9E];
	_ =	swait.ge [sflag:s4], $0x0  }
0x19: {  	s7 =	sld [smem:$0x3F9F]  }
0x1a: {  	s8 =	sadd.s32 $0xFFFFE003, lr  }
0x1b: {  	s9 =	sadd.s32 $0xFFFFFEF7, lr;
	s5 =	simm.s32 $0xFFFFFFFF;
	p2 =	slt.u32 s8, $0xFFFFF086  }
0x1c: {  	p1 =	slt.u32 s9, $0xF7A;
	s5 =	simm.s32 @!p2 $0x0  }
0x1d: {  	s5 =	simm.s32 @p1 $0x1;
	p0 =	seq.s32 s7, s2  }
0x1e: {  	s7 =	smul.u32 @!p0 $0xF7A, s2;
	p2 =	seq.s32 @!p0 s5, $0x0  }
0x1f: {  	s9 =	smul.u32 $0xF7A, s1;
	s8 =	simm.s32 @!p0 $0x1BF5;
	p2 =	por !p2, p0  }
0x20: {  	[sflag:s8] =	ssyncset.s32 @!p0 $0xFFFFF086;
	s6 =	sadd.s32 @!p0 s3, s7;
	s7 =	simm.s32 @!p0 $0x108  }
0x21: {  	s3 =	sadd.s32 s3, s9;
	s6 =	sadd.s32 @!p0 $0x88, s6;
	s7 =	simm.s32 @p2 $0x1082  }
0x22: {  	[simem:s7], [sflag:s8] =	dma.local @!p0 [hbm:s6], $0xF7A  }
0x23: {  	s9 =	sor.u32 $0xD0000000, s2;
	s6 =	simm.s32 $0x108;
	_ =	swait.ge @!p0 [sflag:s8], $0x0  }
0x24: {  	s3 =	sadd.s32 $0x88, s3;
	s6 =	simm.s32 @!p1 $0x1082;
	[sflag:s4] =	ssyncset.s32 $0xFFFFF086  }
0x25: {  	[simem:s6], [sflag:s4] =	dma.local [hbm:s3], $0xF7A  }
0x26: {  	[smem:$0x3F9F] =	sst s1;
	(tag) =	ssettag s2;
	_ =	strace s9  }
0x27: {  	s1 =	sld [smem:$0x3FAF]  }
0x28: {  	s2 =	sld [smem:$0x3FB0]  }
0x29: {  	s4 =	sld [smem:$0x3FB2]  }
0x2a: {  	p0 =	seq.s32 s5, $0x0;
	s5 =	sld [smem:$0x3FB3]  }
0x2b: {  	s6 =	sld [smem:$0x3FB4]  }
0x2c: {  	s7 =	sld [smem:$0x3FB5]  }
0x2d: {  	s3 =	simm.s32 $0x108;
	s8 =	sld [smem:$0x3FB6]  }
0x2e: {  	s3 =	simm.s32 @!p0 $0x1082;
	s9 =	sld [smem:$0x3FB7]  }
0x2f: {  	lr =	sadd.s32 s0, s3;
	s0 =	sld [smem:$0x3FAE]  }
0x30: {  	s3 =	sld [smem:$0x3FB1]  }
0x31: {  	[smem:$0x3FBA] =	sst s10  }
0x32: {  	s10 =	sld [smem:$0x3FB8];
	_ =	sdelay $0x3  }
0x33: {  	p0 =	seq.s32 s10, $0x1;
	s10 =	sld [smem:$0x3FBA];
	_ =	sdelay $0x3  }
0x34: {  	[smem:$0x3FBA] =	sst s10  }
0x35: {  	s10 =	sld [smem:$0x3FB9];
	_ =	sdelay $0x3  }
0x36: {  	p1 =	seq.s32 s10, $0x1;
	s10 =	sld [smem:$0x3FBA];
	_ =	sdelay $0x3  }
0x37: {  	[smem:$0x3FBA] =	sst s10  }
0x38: {  	s10 =	sld [smem:$0x3FBB]  }
0x39: {  	_ = 	snop;
	(pc) =	sbr.ind lr, $3  }
0x3a: {  	_ = 	snop  }
0x3b: {  	_ = 	snop  }
0x3c: {  	p2 =	seq.s32 s10, $0x1;
	s10 =	sld [smem:$0x3FBA]  }
0x3d: {  	_ =	shalt  }
0x3e: {  	_ =	shalt  }
0x3f: {  	_ =	shalt  }
0x40: {  	_ =	shalt  }
0x41: {  	_ =	shalt  }
0x42: {  	_ =	shalt  }
0x43: {  	_ =	shalt  }
0x44: {  	_ =	shalt  }
0x45: {  	_ =	shalt  }
0x46: {  	_ =	shalt  }
0x47: {  	_ =	shalt  }
0x48: {  	_ =	shalt  }
0x49: {  	_ =	shalt  }
0x4a: {  	_ =	shalt  }
0x4b: {  	_ =	shalt  }
0x4c: {  	_ =	shalt  }
0x4d: {  	_ =	shalt  }
0x4e: {  	_ =	shalt  }
0x4f: {  	_ =	shalt  }
0x50: {  	_ =	shalt  }
0x51: {  	_ =	shalt  }
0x52: {  	_ =	shalt  }
0x53: {  	_ =	shalt  }
0x54: {  	_ =	shalt  }
0x55: {  	_ =	shalt  }
0x56: {  	_ =	shalt  }
0x57: {  	_ =	shalt  }
0x58: {  	_ =	shalt  }
0x59: {  	_ =	shalt  }
0x5a: {  	_ =	shalt  }
0x5b: {  	_ =	shalt  }
0x5c: {  	_ =	shalt  }
0x5d: {  	_ =	shalt  }
0x5e: {  	_ =	shalt  }
0x5f: {  	_ =	shalt  }
0x60: {  	_ =	shalt  }
0x61: {  	_ =	shalt  }
0x62: {  	_ =	shalt  }
0x63: {  	_ =	shalt  }
0x64: {  	_ =	shalt  }
0x65: {  	_ =	shalt  }
0x66: {  	_ =	shalt  }
0x67: {  	_ =	shalt  }
0x68: {  	_ =	shalt  }
0x69: {  	_ =	shalt  }
0x6a: {  	_ =	shalt  }
0x6b: {  	_ =	shalt  }
0x6c: {  	_ =	shalt  }
0x6d: {  	_ =	shalt  }
0x6e: {  	_ =	shalt  }
0x6f: {  	_ =	shalt  }
0x70: {  	_ =	shalt  }
0x71: {  	_ =	shalt  }
0x72: {  	_ =	shalt  }
0x73: {  	_ =	shalt  }
0x74: {  	_ =	shalt  }
0x75: {  	_ =	shalt  }
0x76: {  	_ =	shalt  }
0x77: {  	_ =	shalt  }
0x78: {  	_ =	shalt  }
0x79: {  	_ =	shalt  }
0x7a: {  	_ =	shalt  }
0x7b: {  	_ =	shalt  }
0x7c: {  	_ =	shalt  }
0x7d: {  	_ =	shalt  }
0x7e: {  	_ =	shalt  }
0x7f: {  	_ =	shalt  }
0x80: {  	_ =	shalt  }
0x81: {  	_ =	shalt  }
0x82: {  	_ =	shalt  }
0x83: {  	_ =	shalt  }
0x84: {  	_ =	shalt  }
0x85: {  	_ =	shalt  }
0x86: {  	_ =	shalt  }
0x87: {  	_ =	shalt  }
.Lfunc_end0:
.L_simem_size_0:
called_computation_lowered:
.L_overlay_start_0:
0x88: {  	s0 =	sld [smem:$0x3FD9]  }
0x89: {  	s1 =	sld [smem:$0x3FFE];
	_ =	sdelay $0x3  }
0x8a: {  	s0 =	sadd.s32 s1, s0  }
0x8b: {  	[smem:$0x3FC6] =	sst s0  }
0x8c: {  	_ = 	snop  }
0x8d: {  	s0 =	sld [smem:$0x3FD0];
	(tm) =	ssettm $0x1  }
0x8e: {  	s16 =	sld [smem:$0x3FFB];
	_ =	sdelay $0x3  }
0x8f: {  	_ =	strace s16  }
0x90: {  	s1 =	sld [smem:$0x3FFC];
	_ =	sdelay $0x3  }
0x91: {  	_ =	strace s1  }
0x92: {  	s1 =	sld [smem:$0x3FFD];
	_ =	sdelay $0x3  }
0x93: {  	_ =	strace s1  }
0x94: {  	_ =	strace $0x8FFFFFFF  }
0x95: {  	s17 =	sld [smem:$0x3FDB];
	_ =	sdelay $0x1  }
0x96: {  	s2 =	simm.s32 $_scs_section_size  }
0x97: {  	s3 =	simm.s32 $_size__tile_overlayer_lowered;
	s4 =	simm.s32 $_tile_overlayer_lowered  }
0x98: {  	s20 =	simm.s32 $0x1BFF;
	s19 =	sshll.u32 s4, $0x1;
	s1 =	sadd.s32 s2, s17  }
0x99: {  	s5 =	simm.s32 $0x0;
	s18 =	sshll.u32 s3, $0x1;
	s3 =	sadd.s32 s19, s1  }
0x9a: {  	[timem:s5], [sflag:s20] =	dma.local [hbm:s3], s18  }
0x9b: {  	_ =	swait.ge [sflag:s20], s18  }
0x9c: {  	s2 =	ssub.s32 $0x0, s18;
	[sflag:s20] =	ssyncset.done $0x0  }
0x9d: {  	[sflag:s20] =	ssyncadd.s32 s2;
	_ =	sdelay $0x1  }
0x9e: {  	s21 =	simm.s32 $0x1B8B  }
0x9f: {  	_ =	swait.ge [sflag:s21], $0x1  }
0xa0: {  	[sflag:s21] =	ssyncset.done $0x0  }
0xa1: {  	s23 =	simm.s32 $0x1B8E;
	s22 =	sld [smem:$0x3FFE];
	[sflag:s21] =	ssyncadd.s32 $0xFFFFFFFF  }
0xa2: {  	s24 =	simm.s32 $execute0_lowered;
	[smem:$0x3FD2] =	sst s23  }
0xa3: {  	s3 =	sshll.u32 s24, $0x1;
	_ =	strace $0x80000046;
	[dreg:$0x1] =	wrdreg $0xFFFFFFFF  }
0xa4: {  	s25 =	simm.s32 $_size_execute0_lowered;
	s1 =	sadd.s32 s1, s3;
	[dreg:$0x0] =	wrdreg $0x0  }
0xa5: {  	s3 =	sshll.u32 s25, $0x1;
	[dreg:$0x2] =	wrdreg s1  }
0xa6: {  	[dreg:$0x3] =	wrdreg s3  }
0xa7: {  	[dreg:$0x4] =	wrdreg $0xC0  }
0xa8: {  	_ =	task [dreg:s5], $0x5FFFF  }
0xa9: {  	[dreg:$0x1] =	wrdreg $0xFFFFFFFF  }
0xaa: {  	[dreg:$0x0] =	wrdreg $0x60  }
0xab: {  	[dreg:$0x2] =	wrdreg s22  }
0xac: {  	[dreg:$0x3] =	wrdreg s0  }
0xad: {  	[dreg:$0x4] =	wrdreg $0x9  }
0xae: {  	_ =	task.clear_ibuf [dreg:s5], $0x5FFFF;
	_ =	strace $0x90000046  }
0xaf: {  	s26 =	simm.s32 $0x9;
	_ =	strace $0x80000048  }
0xb0: {  	_ =	swait.ge [sflag:s26], $0x1  }
0xb1: {  	[sflag:s26] =	ssyncadd.s32 $0xFFFFFFFF  }
0xb2: {  	_ =	strace $0x90000048  }
0xb3: {  	_ =	sfence  }
0xb4: {  	s28 =	sld [smem:$0x0];
	_ =	sdelay $0x1  }
0xb5: {  	s29 =	srdreg.scid  }
0xb6: {  	s30 =	sshll.u32 s29, $0xD;
	s31 =	sshrl.u32 s29, $0x2  }
0xb7: {  	s2 =	sand.u32 $0x4000, s30;
	s1 =	sand.u32 $0x1, s29;
	s0 =	sadd.s32 s31, s28  }
0xb8: {  	s1 =	sor.u32 s2, s1;
	s0 =	sshll.u32 s0, $0x11  }
0xb9: {  	s0 =	sor.u32 s0, s1  }
0xba: {  	s0 =	sadd.s32 $0x8F2B, s0  }
0xbb: {  	[sflag:s0] =	ssyncadd.remote.s32 $0x1  }
0xbc: {  	_ =	sfence.sel $0xFFFF  }
0xbd: {  	[dreg:$0x0] =	wrdreg $0xFFFFFFFF;
	(pc) =	sbr.abs _section_cstart, $3  }
0xbe: {  	[dreg:$0x1] =	wrdreg $0xFFFFFFFF  }
0xbf: {  	_ =	task.clear_ibuf [dreg:s5], $0x2FFFF;
	_ =	strace $0x9FFFFFFF  }
0xc0: {  	(tm) =	ssettm $0x7FFFFFFF  }
0xc1: {  	_ =	shalt  }
tec
execute0_lowered:
.L_overlay_start_1:
0x0: {  	(tag) =	ssettag $0x1  }
0x1: {  	s5 =	rddreg [dreg:$0x0]  }
0x2: {  	s2 =	rddreg [dreg:$0x1]  }
0x3: {  	s0 =	rddreg [dreg:$0x2];
	s6 =	simm.s32 $0x0;
	s1 =	stileid.u32  }
0x4: {  	s4 =	simm.s32 $0x1880;
	[smem:$0x7FF] =	sst s6;
	p0 =	seq.s32 s1, $0xF  }
0x5: {  	s3 =	smul.u32 $0x1880, s1;
	s7 =	sadd.s32 $0x3600, s5;
	_ =	strace $0x80000047  }
0x6: {  	[tilespmem:s4], [sflag:$0x1] =	stream.linear.gather [hbm4b:s7+s6], $0x80, $0x38;
	[tilespmem:$0x6280] =	vst v63  }
0x7: {  	s30 =	simm.s32 $0x1;
	s3 =	simm.s32 @p0 $0x16E20  }
0x8: {  	s3 =	sshrl.u32 s3, $0x3;
	_ =	swait.ge [sflag:s30], $0x80  }
0x9: {  	s5 =	sadd.s32 s3, s5;
	[sflag:s30] =	ssyncset.done $0x0  }
0xa: {  	s5 =	sadd.s32 $0x400, s5;
	[sflag:s30] =	ssyncadd.s32 $0xFFFFFF80  }
0xb: {  	[tilespmem:s6], [sflag:$0x1] =	stream.linear.gather [hbm4b:s5+s6], $0x1880, $0x38;
	[tilespmem:$0x6280] =	vst v63  }
0xc: {  	_ =	swait.ge [sflag:s30], $0x1880  }
0xd: {  	[sflag:s30] =	ssyncset.done $0x0  }
0xe: {  	s31 =	simm.s32 $0x70;
	[sflag:s30] =	ssyncadd.s32 $0xFFFFE780  }
0xf: {  	s8 =	sand.u32 $0x1FE0, s6;
	v0 =	vld [tilespmem:s31+$0x60]  }
0x10: {  	v1 =	vld [tilespmem:s8+$0x80]  }
0x11: {  	v2 =	vld [tilespmem:s31+$0xFFFFFFA0]  }
0x12: {  	v3 =	vld [tilespmem:s31+$0xFFFFFFB0]  }
0x13: {  	v4 =	vld [tilespmem:s31+$0xFFFFFFC0]  }
0x14: {  	v5 =	vld [tilespmem:s31+$0xFFFFFFD0]  }
0x15: {  	v6 =	vld [tilespmem:s31+$0xFFFFFFE0]  }
0x16: {  	v7 =	vld [tilespmem:s31+$0xFFFFFFF0]  }
0x17: {  	v8 =	vld [tilespmem:s31+$0x0];
	v0 =	vmul.u32 $0x3, v0  }
0x18: {  	v9 =	vld [tilespmem:s31+$0x20];
	v1 =	vmul.u32 $0x3, v1  }
0x19: {  	v10 =	vld [tilespmem:s31+$0x30];
	v2 =	vmul.u32 $0x3, v2  }
0x1a: {  	v13 =	vld [tilespmem:s31+$0x40];
	v3 =	vmul.u32 $0x3, v3  }
0x1b: {  	v17 =	vld [tilespmem:s31+$0xFFFFFF90];
	v4 =	vmul.u32 $0x3, v4  }
0x1c: {  	v16 =	vld [tilespmem:s31+$0x50];
	v5 =	vmul.u32 $0x3, v5  }
0x1d: {  	v6 =	vmul.u32 $0x3, v6;
	v11 =	vld.idx.msk [tilespmem:v0+s4+$0x0], $0xffff  }
0x1e: {  	v7 =	vmul.u32 $0x3, v7;
	v12 =	vld.idx.msk [tilespmem:v1+s4+$0x0], $0xffff  }
0x1f: {  	v8 =	vmul.u32 $0x3, v8;
	v18 =	vld.idx.msk [tilespmem:v2+s4+$0x0], $0xffff  }
0x20: {  	v38 =	vmul.u32 $0x3, v17;
	v19 =	vld.idx.msk [tilespmem:v3+s4+$0x0], $0xffff  }
0x21: {  	v37 =	vld.idx.msk [tilespmem:v4+s4+$0x0], $0xffff  }
0x22: {  	s5 =	simm.s32 $0x1970;
	v14 =	vadd.s32 $0x1, v0;
	v39 =	vld.idx.msk [tilespmem:v5+s4+$0x0], $0xffff  }
0x23: {  	v9 =	vmul.u32 $0x3, v9;
	v15 =	vadd.s32 $0x1, v1;
	v40 =	vld.idx.msk [tilespmem:v6+s4+$0x0], $0xffff;
	[tilespmem:s5+$0x60] =	vst v11  }
0x24: {  	v10 =	vmul.u32 $0x3, v10;
	v41 =	vld.idx.msk [tilespmem:v7+s4+$0x0], $0xffff;
	[tilespmem:s8+$0x1980] =	vst v12  }
0x25: {  	v13 =	vmul.u32 $0x3, v13;
	v20 =	vld.idx.msk [tilespmem:v8+s4+$0x0], $0xffff;
	[tilespmem:s5+$0xFFFFFFA0] =	vst v18  }
0x26: {  	v42 =	vmul.u32 $0x3, v16;
	v44 =	vld.idx.msk [tilespmem:v38+s4+$0x0], $0xffff;
	[tilespmem:s5+$0xFFFFFFB0] =	vst v19  }
0x27: {  	[tilespmem:s5+$0xFFFFFFC0] =	vst v37;
	v11 =	vld.idx.msk [tilespmem:v14+s4+$0x0], $0xffff  }
0x28: {  	v0 =	vadd.s32 $0x2, v0;
	[tilespmem:s5+$0xFFFFFFD0] =	vst v39;
	v12 =	vld.idx.msk [tilespmem:v15+s4+$0x0], $0xffff  }
0x29: {  	v1 =	vadd.s32 $0x2, v1;
	v46 =	vld.idx.msk [tilespmem:v9+s4+$0x0], $0xffff;
	[tilespmem:s5+$0xFFFFFFE0] =	vst v40  }
0x2a: {  	v45 =	vadd.s32 $0x1, v3;
	v48 =	vld.idx.msk [tilespmem:v10+s4+$0x0], $0xffff;
	[tilespmem:s5+$0xFFFFFFF0] =	vst v41  }
0x2b: {  	s6 =	simm.s32 $0x31F0;
	v47 =	vadd.s32 $0x1, v38;
	v49 =	vld.idx.msk [tilespmem:v13+s4+$0x0], $0xffff;
	[tilespmem:s5+$0x0] =	vst v20  }
0x2c: {  	v21 =	vadd.s32 $0x1, v4;
	v23 =	vld.idx.msk [tilespmem:v42+s4+$0x0], $0xffff;
	[tilespmem:s6+$0x60] =	vst v11  }
0x2d: {  	v22 =	vadd.s32 $0x1, v5;
	[tilespmem:s8+$0x3200] =	vst v12;
	v0 =	vld.idx.msk [tilespmem:v0+s4+$0x0], $0xffff  }
0x2e: {  	v51 =	vadd.s32 $0x1, v8;
	[tilespmem:s5+$0xFFFFFF90] =	vst v44;
	v1 =	vld.idx.msk [tilespmem:v1+s4+$0x0], $0xffff  }
0x2f: {  	v52 =	vadd.s32 $0x1, v9;
	[tilespmem:s5+$0x20] =	vst v46;
	v50 =	vld.idx.msk [tilespmem:v45+s4+$0x0], $0xffff  }
0x30: {  	v53 =	vadd.s32 $0x1, v10;
	[tilespmem:s5+$0x30] =	vst v48;
	v18 =	vld.idx.msk [tilespmem:v47+s4+$0x0], $0xffff  }
0x31: {  	s7 =	simm.s32 $0x4A70;
	v54 =	vadd.s32 $0x1, v13;
	[tilespmem:s5+$0x40] =	vst v49;
	v21 =	vld.idx.msk [tilespmem:v21+s4+$0x0], $0xffff  }
0x32: {  	v22 =	vld.idx.msk [tilespmem:v22+s4+$0x0], $0xffff;
	[tilespmem:s7+$0x60] =	vst v0;
	v0 =	vadd.s32 $0x1, v6  }
0x33: {  	v57 =	vld.idx.msk [tilespmem:v51+s4+$0x0], $0xffff;
	[tilespmem:s8+$0x4A80] =	vst v1;
	v1 =	vadd.s32 $0x1, v7  }
0x34: {  	v43 =	vadd.s32 $0x1, v2;
	[tilespmem:s5+$0x50] =	vst v23;
	v58 =	vld.idx.msk [tilespmem:v52+s4+$0x0], $0xffff  }
0x35: {  	v3 =	vadd.s32 $0x2, v3;
	v59 =	vld.idx.msk [tilespmem:v53+s4+$0x0], $0xffff;
	[tilespmem:s6+$0xFFFFFFB0] =	vst v50  }
0x36: {  	v4 =	vadd.s32 $0x2, v4;
	v60 =	vld.idx.msk [tilespmem:v54+s4+$0x0], $0xffff;
	[tilespmem:s6+$0xFFFFFF90] =	vst v18  }
0x37: {  	v5 =	vadd.s32 $0x2, v5;
	[tilespmem:s6+$0xFFFFFFC0] =	vst v21;
	v0 =	vld.idx.msk [tilespmem:v0+s4+$0x0], $0xffff  }
0x38: {  	v55 =	vadd.s32 $0x1, v42;
	[tilespmem:s6+$0xFFFFFFD0] =	vst v22;
	v1 =	vld.idx.msk [tilespmem:v1+s4+$0x0], $0xffff  }
0x39: {  	v56 =	vadd.s32 $0x2, v38;
	v12 =	vld.idx.msk [tilespmem:v43+s4+$0x0], $0xffff;
	[tilespmem:s6+$0x0] =	vst v57  }
0x3a: {  	v2 =	vadd.s32 $0x2, v2;
	[tilespmem:s6+$0x20] =	vst v58;
	v3 =	vld.idx.msk [tilespmem:v3+s4+$0x0], $0xffff  }
0x3b: {  	v62 =	vadd.s32 $0x2, v10;
	[tilespmem:s6+$0x30] =	vst v59;
	v4 =	vld.idx.msk [tilespmem:v4+s4+$0x0], $0xffff  }
0x3c: {  	v5 =	vld.idx.msk [tilespmem:v5+s4+$0x0], $0xffff;
	v6 =	vadd.s32 $0x2, v6;
	[tilespmem:s6+$0xFFFFFFE0] =	vst v0  }
0x3d: {  	v0 =	vld.idx.msk [tilespmem:v55+s4+$0x0], $0xffff;
	[tilespmem:s6+$0xFFFFFFF0] =	vst v1;
	v1 =	vadd.s32 $0x2, v7  }
0x3e: {  	[tilespmem:s6+$0xFFFFFFA0] =	vst v12;
	v12 =	vld.idx.msk [tilespmem:v56+s4+$0x0], $0xffff;
	v7 =	vadd.s32 $0x2, v8  }
0x3f: {  	v61 =	vadd.s32 $0x2, v9;
	[tilespmem:s6+$0x40] =	vst v60;
	v2 =	vld.idx.msk [tilespmem:v2+s4+$0x0], $0xffff  }
0x40: {  	v63 =	vadd.s32 $0x2, v13;
	[tilespmem:s7+$0xFFFFFFB0] =	vst v3;
	v3 =	vld.idx.msk [tilespmem:v62+s4+$0x0], $0xffff  }
0x41: {  	v11 =	vadd.s32 $0x2, v42;
	[tilespmem:s7+$0xFFFFFFC0] =	vst v4;
	v6 =	vld.idx.msk [tilespmem:v6+s4+$0x0], $0xffff  }
0x42: {  	[tilespmem:s6+$0x50] =	vst v0;
	v0 =	vld.idx.msk [tilespmem:v1+s4+$0x0], $0xffff  }
0x43: {  	[tilespmem:s7+$0xFFFFFFD0] =	vst v5;
	v1 =	vld.idx.msk [tilespmem:v7+s4+$0x0], $0xffff  }
0x44: {  	[tilespmem:s7+$0xFFFFFFA0] =	vst v2;
	v2 =	vld.idx.msk [tilespmem:v61+s4+$0x0], $0xffff  }
0x45: {  	v4 =	vld.idx.msk [tilespmem:v63+s4+$0x0], $0xffff;
	[tilespmem:s7+$0xFFFFFF90] =	vst v12  }
0x46: {  	s9 =	simm.s32 $0x150;
	s10 =	simm.s32 $0xE0;
	s8 =	simm.s32 $0x0;
	[tilespmem:s7+$0xFFFFFFE0] =	vst v6;
	v5 =	vld.idx.msk [tilespmem:v11+s4+$0x0], $0xffff  }
.LBB2_1:
0x47: {  	s11 =	sand.u32 $0x1FE0, s10;
	v6 =	vld [tilespmem:s9+$0x60];
	s8 =	sadd.s32 $0xE, s8;
	[tilespmem:s7+$0xFFFFFFF0] =	vst v0  }
0x48: {  	v0 =	vld [tilespmem:s11+$0x80];
	p0 =	slt.u32 s8, $0x17A;
	[tilespmem:s7+$0x0] =	vst v1  }
0x49: {  	v1 =	vld [tilespmem:s9+$0xFFFFFFA0];
	[tilespmem:s7+$0x20] =	vst v2  }
0x4a: {  	v2 =	vld [tilespmem:s9+$0xFFFFFFB0];
	[tilespmem:s7+$0x30] =	vst v3  }
0x4b: {  	v3 =	vld [tilespmem:s9+$0xFFFFFFC0];
	[tilespmem:s7+$0x40] =	vst v4  }
0x4c: {  	v4 =	vld [tilespmem:s9+$0xFFFFFFD0];
	v6 =	vmul.u32 $0x3, v6;
	[tilespmem:s7+$0x50] =	vst v5  }
0x4d: {  	v5 =	vld [tilespmem:s9+$0xFFFFFFE0];
	v7 =	vmul.u32 $0x3, v0  }
0x4e: {  	v8 =	vmul.u32 $0x3, v1;
	v9 =	vld [tilespmem:s9+$0xFFFFFFF0]  }
0x4f: {  	v10 =	vmul.u32 $0x3, v2;
	v11 =	vld [tilespmem:s9+$0x0]  }
0x50: {  	v12 =	vadd.s32 $0x1, v8;
	v0 =	vadd.s32 $0x2, v8;
	v13 =	vmul.u32 $0x3, v3;
	v14 =	vld [tilespmem:s9+$0x20]  }
0x51: {  	v15 =	vadd.s32 $0x1, v10;
	v1 =	vadd.s32 $0x2, v10;
	v4 =	vmul.u32 $0x3, v4;
	v16 =	vld [tilespmem:s9+$0x30]  }
0x52: {  	v17 =	vadd.s32 $0x1, v13;
	v2 =	vadd.s32 $0x2, v13;
	v5 =	vmul.u32 $0x3, v5;
	v18 =	vld.idx.msk [tilespmem:v6+s4+$0x0], $0xffff  }
0x53: {  	v19 =	vadd.s32 $0x1, v4;
	v3 =	vadd.s32 $0x2, v4;
	v9 =	vmul.u32 $0x3, v9;
	v20 =	vld.idx.msk [tilespmem:v7+s4+$0x0], $0xffff  }
0x54: {  	v23 =	vadd.s32 $0x1, v6;
	v21 =	vadd.s32 $0x1, v5;
	v11 =	vmul.u32 $0x3, v11;
	v22 =	vld [tilespmem:s9+$0x40]  }
0x55: {  	v25 =	vadd.s32 $0x1, v7;
	v24 =	vadd.s32 $0x1, v9;
	v14 =	vmul.u32 $0x3, v14;
	v26 =	vld [tilespmem:s9+$0x50]  }
0x56: {  	v28 =	vadd.s32 $0x2, v5;
	v27 =	vld [tilespmem:s9+$0xFFFFFF90];
	v29 =	vadd.s32 $0x1, v11;
	v16 =	vmul.u32 $0x3, v16  }
0x57: {  	s5 =	sadd.s32 $0xE0, s5;
	v30 =	vadd.s32 $0x2, v9;
	v31 =	vadd.s32 $0x2, v11;
	v8 =	vld.idx.msk [tilespmem:v8+s4+$0x0], $0xffff;
	v32 =	vadd.s32 $0x1, v14  }
0x58: {  	v33 =	vadd.s32 $0x2, v14;
	v10 =	vld.idx.msk [tilespmem:v10+s4+$0x0], $0xffff;
	v34 =	vadd.s32 $0x1, v16;
	v35 =	vadd.s32 $0x2, v16;
	[tilespmem:s5+$0x60] =	vst v18  }
0x59: {  	[tilespmem:s11+$0x1980] =	vst v20;
	v18 =	vmul.u32 $0x3, v22;
	v20 =	vld.idx.msk [tilespmem:v23+s4+$0x0], $0xffff  }
0x5a: {  	v22 =	vld.idx.msk [tilespmem:v25+s4+$0x0], $0xffff;
	v23 =	vmul.u32 $0x3, v26  }
0x5b: {  	v6 =	vadd.s32 $0x2, v6;
	v25 =	vmul.u32 $0x3, v27;
	v13 =	vld.idx.msk [tilespmem:v13+s4+$0x0], $0xffff;
	v26 =	vadd.s32 $0x1, v18  }
0x5c: {  	v7 =	vadd.s32 $0x2, v7;
	v27 =	vadd.s32 $0x2, v18;
	v4 =	vld.idx.msk [tilespmem:v4+s4+$0x0], $0xffff;
	v36 =	vadd.s32 $0x1, v23  }
0x5d: {  	v37 =	vadd.s32 $0x1, v25;
	v38 =	vadd.s32 $0x2, v25;
	[tilespmem:s5+$0xFFFFFFA0] =	vst v8;
	v5 =	vld.idx.msk [tilespmem:v5+s4+$0x0], $0xffff;
	v8 =	vadd.s32 $0x2, v23  }
0x5e: {  	s6 =	sadd.s32 $0xE0, s6;
	[tilespmem:s5+$0xFFFFFFB0] =	vst v10;
	v9 =	vld.idx.msk [tilespmem:v9+s4+$0x0], $0xffff  }
0x5f: {  	v10 =	vld.idx.msk [tilespmem:v11+s4+$0x0], $0xffff;
	[tilespmem:s6+$0x60] =	vst v20  }
0x60: {  	[tilespmem:s11+$0x3200] =	vst v22;
	v6 =	vld.idx.msk [tilespmem:v6+s4+$0x0], $0xffff  }
0x61: {  	[tilespmem:s5+$0xFFFFFFC0] =	vst v13;
	v7 =	vld.idx.msk [tilespmem:v7+s4+$0x0], $0xffff  }
0x62: {  	v11 =	vld.idx.msk [tilespmem:v25+s4+$0x0], $0xffff;
	[tilespmem:s5+$0xFFFFFFD0] =	vst v4  }
0x63: {  	[tilespmem:s5+$0xFFFFFFE0] =	vst v5;
	v4 =	vld.idx.msk [tilespmem:v14+s4+$0x0], $0xffff  }
0x64: {  	[tilespmem:s5+$0xFFFFFFF0] =	vst v9;
	v5 =	vld.idx.msk [tilespmem:v16+s4+$0x0], $0xffff  }
0x65: {  	s7 =	sadd.s32 $0xE0, s7;
	[tilespmem:s5+$0x0] =	vst v10;
	v9 =	vld.idx.msk [tilespmem:v18+s4+$0x0], $0xffff  }
0x66: {  	v10 =	vld.idx.msk [tilespmem:v23+s4+$0x0], $0xffff;
	[tilespmem:s7+$0x60] =	vst v6  }
0x67: {  	v6 =	vld.idx.msk [tilespmem:v12+s4+$0x0], $0xffff;
	[tilespmem:s11+$0x4A80] =	vst v7  }
0x68: {  	[tilespmem:s5+$0xFFFFFF90] =	vst v11;
	v7 =	vld.idx.msk [tilespmem:v15+s4+$0x0], $0xffff  }
0x69: {  	v11 =	vld.idx.msk [tilespmem:v37+s4+$0x0], $0xffff;
	[tilespmem:s5+$0x20] =	vst v4  }
0x6a: {  	v4 =	vld.idx.msk [tilespmem:v17+s4+$0x0], $0xffff;
	[tilespmem:s5+$0x30] =	vst v5  }
0x6b: {  	v5 =	vld.idx.msk [tilespmem:v19+s4+$0x0], $0xffff;
	[tilespmem:s5+$0x40] =	vst v9  }
0x6c: {  	v9 =	vld.idx.msk [tilespmem:v21+s4+$0x0], $0xffff;
	[tilespmem:s5+$0x50] =	vst v10  }
0x6d: {  	[tilespmem:s6+$0xFFFFFFA0] =	vst v6;
	v6 =	vld.idx.msk [tilespmem:v24+s4+$0x0], $0xffff  }
0x6e: {  	[tilespmem:s6+$0xFFFFFFB0] =	vst v7;
	v7 =	vld.idx.msk [tilespmem:v29+s4+$0x0], $0xffff  }
0x6f: {  	[tilespmem:s6+$0xFFFFFF90] =	vst v11;
	v10 =	vld.idx.msk [tilespmem:v32+s4+$0x0], $0xffff  }
0x70: {  	[tilespmem:s6+$0xFFFFFFC0] =	vst v4;
	v4 =	vld.idx.msk [tilespmem:v34+s4+$0x0], $0xffff  }
0x71: {  	[tilespmem:s6+$0xFFFFFFD0] =	vst v5;
	v5 =	vld.idx.msk [tilespmem:v26+s4+$0x0], $0xffff  }
0x72: {  	[tilespmem:s6+$0xFFFFFFE0] =	vst v9;
	v9 =	vld.idx.msk [tilespmem:v36+s4+$0x0], $0xffff  }
0x73: {  	v11 =	vld.idx.msk [tilespmem:v38+s4+$0x0], $0xffff;
	[tilespmem:s6+$0xFFFFFFF0] =	vst v6  }
0x74: {  	v6 =	vld.idx.msk [tilespmem:v0+s4+$0x0], $0xffff;
	[tilespmem:s6+$0x0] =	vst v7  }
0x75: {  	v7 =	vld.idx.msk [tilespmem:v1+s4+$0x0], $0xffff;
	[tilespmem:s6+$0x20] =	vst v10  }
0x76: {  	v10 =	vld.idx.msk [tilespmem:v2+s4+$0x0], $0xffff;
	[tilespmem:s6+$0x30] =	vst v4  }
0x77: {  	v4 =	vld.idx.msk [tilespmem:v3+s4+$0x0], $0xffff;
	[tilespmem:s6+$0x40] =	vst v5  }
0x78: {  	v5 =	vld.idx.msk [tilespmem:v28+s4+$0x0], $0xffff;
	[tilespmem:s6+$0x50] =	vst v9  }
0x79: {  	[tilespmem:s7+$0xFFFFFF90] =	vst v11;
	v0 =	vld.idx.msk [tilespmem:v30+s4+$0x0], $0xffff  }
.Ltmp0:
0x7a: {  	[tilespmem:s7+$0xFFFFFFA0] =	vst v6;
	v1 =	vld.idx.msk [tilespmem:v31+s4+$0x0], $0xffff;
	(pc) =	sbr.rel @p0 .LBB2_1-.Ltmp0, $4  }
0x7b: {  	[tilespmem:s7+$0xFFFFFFB0] =	vst v7;
	v2 =	vld.idx.msk [tilespmem:v33+s4+$0x0], $0xffff  }
0x7c: {  	[tilespmem:s7+$0xFFFFFFC0] =	vst v10;
	v3 =	vld.idx.msk [tilespmem:v35+s4+$0x0], $0xffff  }
0x7d: {  	[tilespmem:s7+$0xFFFFFFD0] =	vst v4;
	v4 =	vld.idx.msk [tilespmem:v27+s4+$0x0], $0xffff  }
0x7e: {  	s10 =	sadd.s32 $0xE0, s10;
	s9 =	sadd.s32 $0xE0, s9;
	[tilespmem:s7+$0xFFFFFFE0] =	vst v5;
	v5 =	vld.idx.msk [tilespmem:v8+s4+$0x0], $0xffff  }
0x7f: {  	[tilespmem:s7+$0xFFFFFFF0] =	vst v0  }
0x80: {  	[tilespmem:s7+$0x0] =	vst v1  }
0x81: {  	[tilespmem:s7+$0x20] =	vst v2  }
0x82: {  	[tilespmem:s7+$0x30] =	vst v3  }
0x83: {  	s2 =	sadd.s32 s2, s3;
	[tilespmem:s7+$0x40] =	vst v4  }
0x84: {  	s29 =	simm.s32 $0x0;
	s4 =	simm.s32 $0x1900;
	s30 =	simm.s32 $0x1;
	[tilespmem:s7+$0x50] =	vst v5  }
0x85: {  	[hbm4b:s2+s29] =	stream.linear.scatter [tilespmem:s4], [sflag:$0x1], $0x1880, $0x38;
	[tilespmem:$0x6280] =	vst v63  }
0x86: {  	_ =	swait.ge [sflag:s30], $0x1880  }
0x87: {  	[sflag:s30] =	ssyncset.done $0x0  }
0x88: {  	s6 =	simm.s32 $0x3180;
	s5 =	sadd.s32 $0x30D4, s2;
	[sflag:s30] =	ssyncadd.s32 $0xFFFFE780  }
0x89: {  	[hbm4b:s5+s29] =	stream.linear.scatter [tilespmem:s6], [sflag:$0x1], $0x1880, $0x38;
	[tilespmem:$0x6280] =	vst v63  }
0x8a: {  	_ =	swait.ge [sflag:s30], $0x1880  }
0x8b: {  	[sflag:s30] =	ssyncset.done $0x0  }
0x8c: {  	s31 =	simm.s32 $0x4A00;
	s2 =	sadd.s32 $0x61A8, s2;
	[sflag:s30] =	ssyncadd.s32 $0xFFFFE780  }
0x8d: {  	[hbm4b:s2+s29] =	stream.linear.scatter [tilespmem:s31], [sflag:$0x1], $0x1880, $0x38;
	[tilespmem:$0x6280] =	vst v63  }
0x8e: {  	_ =	swait.ge [sflag:s30], $0x1880  }
0x8f: {  	[sflag:s30] =	ssyncset.done $0x0  }
0x90: {  	[sflag:s30] =	ssyncadd.s32 $0xFFFFE780  }
0x91: {  	_ =	sfence.sel $0x180000  }
0x92: {  	[bflag:$0x0] =	sbarrier.arrive $0xFFFF  }
0x93: {  	p0 =	sne.s32 s1, $0x0;
	_ =	strace $0x90000047  }
0x94: {  	s0 =	sadd.s32 @!p0 $0x100000, s0;
	[bflag:$0x2] =	sbarrier.arrive $0xFFFF  }
0x95: {  	[sflag:s0] =	ssyncadd.tile.s32 @!p0 $0x1;
	_ =	shalt  }
.Lfunc_end2:
_tile_overlayer_lowered:
.L_overlay_start_2:
0x96: {  	(tag) =	ssettag $0x2  }
0x97: {  	s0 =	rddreg [dreg:$0x0];
	s2 =	stileid.u32  }
0x98: {  	s1 =	rddreg [dreg:$0x1];
	p0 =	sne.s32 s2, $0x0  }
0x99: {  	s3 =	rddreg [dreg:$0x2];
	[bflag:$0x3] =	sbarrier.arrive $0xFFFF;
	s2 =	simm.s32 @!p0 $0x1C01  }
0x9a: {  	[timem:s3], [sflag:s2] =	dma.local @!p0 [hbm:s0], s1  }
0x9b: {  	s0 =	simm.s32 @!p0 $0x1  }
0x9c: {  	_ =	swait.ge @!p0 [sflag:s0], s1  }
0x9d: {  	s1 =	ssub.s32 @!p0 $0x0, s1;
	[sflag:s0] =	ssyncset.done @!p0 $0x0  }
0x9e: {  	[sflag:s0] =	ssyncadd.s32 @!p0 s1  }
0x9f: {  	[bflag:$0x3] =	sbarrier.arrive $0xFFFF  }
0xa0: {  	_ =	shalt  }

</sc_bundles>
